<compile_context>
chip_gen: v7x
topology: tpu7x:2x2x1
jax: 0.10.2.dev20260603
libtpu: 0.0.44.dev20260713+nightly
codegen_flags: <defaults>
</compile_context>

<pallas_src>
import dataclasses
import functools

import jax
import jax.numpy as jnp
from jax import lax
from jax.experimental import pallas as pl
from jax.experimental.pallas import tpu as pltpu
from jax.experimental.pallas import tpu_sc as plsc

N = 10000
E = 320000
H = 128
NC = 2
NS = 16
NW = NC * NS
N_PAD = 10240
ROWS_PT = N_PAD // NS
EC = 128
NCH = 80
EPW = NCH * EC
E_PAD = NW * EPW
NCH0 = 144
NCH1 = 16
XC = 64
XPW = N_PAD // NW
BR = 512
GRID = N_PAD // BR

_mesh = plsc.VectorSubcoreMesh(core_axis_name="c", subcore_axis_name="s")
_f32 = jnp.float32

_sc_params = pltpu.CompilerParams()
if "needs_layout_passes" in pltpu.CompilerParams.__dataclass_fields__:
  _sc_params = dataclasses.replace(_sc_params, needs_layout_passes=False)



def _pre_body(x_hbm, emb_hbm, dst_hbm, w_hbm, h0_hbm, degp_hbm,
              xidx_v, erows_v, didx_v, w_v, wrows_v, dacc_sh, sem):
  c = lax.axis_index("c")
  s = lax.axis_index("s")
  wid = c * NS + s

  @pl.loop(0, XPW // XC)
  def _emb(k):
    base = wid * XPW + k * XC
    pltpu.sync_copy(x_hbm.at[pl.ds(base, XC)], xidx_v)
    pltpu.async_copy(emb_hbm.at[xidx_v], erows_v, sem).wait()
    pltpu.sync_copy(erows_v, h0_hbm.at[pl.ds(base, XC)])

  @pl.loop(0, EC)
  def _zw(r):
    for j in range(H // 16):
      wrows_v[r, pl.ds(j * 16, 16)] = jnp.zeros((16,), _f32)

  for t in range(ROWS_PT // EC):
    pltpu.sync_copy(wrows_v, dacc_sh.at[pl.ds(s * ROWS_PT + t * EC, EC)])
  plsc.subcore_barrier()

  @pl.loop(0, EPW // EC)
  def _deg(k):
    base = wid * EPW + k * EC
    pltpu.sync_copy(w_hbm.at[pl.ds(base, EC)], w_v)
    pltpu.sync_copy(dst_hbm.at[pl.ds(base, EC)], didx_v)

    @pl.loop(0, EC)
    def _bc(i):
      wrows_v[i, pl.ds(0, 16)] = plsc.load_gather(
          w_v, [lax.broadcast(i, (16,))])

    pltpu.sync_copy(wrows_v, dacc_sh.at[didx_v], add=True)

  plsc.subcore_barrier()
  pltpu.sync_copy(dacc_sh.at[pl.ds(s * ROWS_PT, ROWS_PT)],
                  degp_hbm.at[c].at[pl.ds(s * ROWS_PT, ROWS_PT)])


@jax.jit
def _sc_pre(x_pad, emb, dst_pad, w_pad):
  return pl.kernel(
      _pre_body,
      out_type=(jax.ShapeDtypeStruct((N_PAD, H), _f32),
                jax.ShapeDtypeStruct((NC, N_PAD, H), _f32)),
      mesh=_mesh,
      compiler_params=_sc_params,
      scratch_types=[
          pltpu.VMEM((XC,), jnp.int32),
          pltpu.VMEM((XC, H), _f32),
          pltpu.VMEM((EC,), jnp.int32),
          pltpu.VMEM((EC,), _f32),
          pltpu.VMEM((EC, H), _f32),
          pltpu.VMEM_SHARED((N_PAD, H), _f32),
          pltpu.SemaphoreType.DMA,
      ],
  )(x_pad, emb, dst_pad, w_pad)


def _edge_body(g_hbm, p2_hbm, w_hbm, out_hbm,
               ebuf, wbuf, rows, acc_sh,
               sa0, sa1, sa2, sa3, sg0, sg1, ss0, ss1):
  c = lax.axis_index("c")
  s = lax.axis_index("s")
  nch = jnp.where(c == 0, NCH0, NCH1)
  cbase = jnp.where(c == 0, s * NCH0, NS * NCH0 + s * NCH1)
  sa = (sa0, sa1, sa2, sa3)
  sg = (sg0, sg1)
  ss = (ss0, ss1)

  @pl.loop(0, EC)
  def _zr(r):
    for j in range(H // 16):
      rows[0, r, pl.ds(j * 16, 16)] = jnp.zeros((16,), _f32)

  for t in range(ROWS_PT // EC):
    pltpu.sync_copy(rows.at[0], acc_sh.at[pl.ds(s * ROWS_PT + t * EC, EC)])
  plsc.subcore_barrier()

  def issue_a(kk, q):
    pltpu.async_copy(p2_hbm.at[pl.ds((cbase + kk) * 2, 2)], ebuf.at[q], sa[q])
    pltpu.async_copy(w_hbm.at[pl.ds((cbase + kk) * EC, EC)], wbuf.at[q], sa[q])

  def wait_a(q):
    pltpu.make_async_copy(p2_hbm.at[pl.ds(0, 2)], ebuf.at[q], sa[q]).wait()
    pltpu.make_async_copy(w_hbm.at[pl.ds(0, EC)], wbuf.at[q], sa[q]).wait()

  def issue_g(q, b):
    pltpu.async_copy(g_hbm.at[ebuf.at[q, 0]], rows.at[b], sg[b])

  def wait_g(q, b):
    pltpu.make_async_copy(g_hbm.at[ebuf.at[q, 0]], rows.at[b], sg[b]).wait()

  def issue_s(q, b):
    pltpu.async_copy(rows.at[b], acc_sh.at[ebuf.at[q, 1]], ss[b], add=True)

  def wait_s(q, b):
    pltpu.make_async_copy(rows.at[b], acc_sh.at[ebuf.at[q, 1]], ss[b]).wait()

  issue_a(0, 0)
  issue_a(1, 1)
  wait_a(0)
  issue_g(0, 0)

  @pl.loop(0, nch // 4)
  def _outer(t):
    for h in range(4):
      b = h % 2
      q = h
      nq = (h + 1) % 4
      nb = (h + 1) % 2
      kk = t * 4 + h

      wait_g(q, b)

      @pl.when(kk + 1 < nch)
      def _nxt():
        wait_a(nq)

        @pl.when(kk >= 1)
        def _ws():
          wait_s(nq, nb)

        issue_g(nq, nb)

      @pl.loop(0, EC)
      def _scale(i):
        wb = plsc.load_gather(wbuf.at[q], [lax.broadcast(i, (16,))])
        for j in range(H // 16):
          sl = (b, i, pl.ds(j * 16, 16))
          rows[sl] = rows[sl] * wb

      issue_s(q, b)

      @pl.when(kk + 2 < nch)
      def _na():
        issue_a(kk + 2, (h + 2) % 4)

  wait_s(2, 0)
  wait_s(3, 1)

  plsc.subcore_barrier()
  pltpu.sync_copy(acc_sh.at[pl.ds(s * ROWS_PT, ROWS_PT)],
                  out_hbm.at[c].at[pl.ds(s * ROWS_PT, ROWS_PT)])


@jax.jit
def _sc_edge(g, p2, w_pad):
  return pl.kernel(
      _edge_body,
      out_type=jax.ShapeDtypeStruct((NC, N_PAD, H), _f32),
      mesh=_mesh,
      compiler_params=_sc_params,
      scratch_types=[
          pltpu.VMEM((4, 2, EC), jnp.int32),
          pltpu.VMEM((4, EC), _f32),
          pltpu.VMEM((2, EC, H), _f32),
          pltpu.VMEM_SHARED((N_PAD, H), _f32),
          pltpu.SemaphoreType.DMA,
          pltpu.SemaphoreType.DMA,
          pltpu.SemaphoreType.DMA,
          pltpu.SemaphoreType.DMA,
          pltpu.SemaphoreType.DMA,
          pltpu.SemaphoreType.DMA,
          pltpu.SemaphoreType.DMA,
          pltpu.SemaphoreType.DMA,
      ],
  )(g, p2, w_pad)



_HI = lax.Precision.DEFAULT


def _pre_tc_body(h0_ref, w_ref, d0_ref, d1_ref, g_ref, dinvb_ref):
  deg = 1.0 + d0_ref[:, 0:1] + d1_ref[:, 0:1]
  dinv = jnp.where(deg > 0, lax.rsqrt(jnp.maximum(deg, 1e-12)), 0.0)
  hw = jnp.dot(h0_ref[...], w_ref[...], precision=_HI,
               preferred_element_type=_f32)
  g_ref[...] = hw * dinv
  dinvb_ref[...] = jnp.broadcast_to(dinv, (BR, H))


@jax.jit
def _tc_pre(h0, W1, d0, d1):
  return pl.pallas_call(
      _pre_tc_body,
      grid=(GRID,),
      in_specs=[
          pl.BlockSpec((BR, H), lambda i: (i, 0)),
          pl.BlockSpec((H, H), lambda i: (0, 0)),
          pl.BlockSpec((BR, H), lambda i: (i, 0)),
          pl.BlockSpec((BR, H), lambda i: (i, 0)),
      ],
      out_specs=[
          pl.BlockSpec((BR, H), lambda i: (i, 0)),
          pl.BlockSpec((BR, H), lambda i: (i, 0)),
      ],
      out_shape=[
          jax.ShapeDtypeStruct((N_PAD, H), _f32),
          jax.ShapeDtypeStruct((N_PAD, H), _f32),
      ],
  )(h0, W1, d0, d1)


def _mid_tc_body(a0_ref, a1_ref, gp_ref, dinvb_ref, b_ref, w_ref, g_ref):
  dinvb = dinvb_ref[...]
  h = dinvb * (a0_ref[...] + a1_ref[...] + gp_ref[...]) + b_ref[...]
  h = jnp.maximum(h, 0.0)
  g_ref[...] = jnp.dot(h, w_ref[...], precision=_HI,
                       preferred_element_type=_f32) * dinvb


@jax.jit
def _tc_mid(a0, a1, gp, dinvb, b, W):
  return pl.pallas_call(
      _mid_tc_body,
      grid=(GRID,),
      in_specs=[
          pl.BlockSpec((BR, H), lambda i: (i, 0)),
          pl.BlockSpec((BR, H), lambda i: (i, 0)),
          pl.BlockSpec((BR, H), lambda i: (i, 0)),
          pl.BlockSpec((BR, H), lambda i: (i, 0)),
          pl.BlockSpec((H,), lambda i: (0,)),
          pl.BlockSpec((H, H), lambda i: (0, 0)),
      ],
      out_specs=pl.BlockSpec((BR, H), lambda i: (i, 0)),
      out_shape=jax.ShapeDtypeStruct((N_PAD, H), _f32),
  )(a0, a1, gp, dinvb, b, W)


def _fin_tc_body(a0_ref, a1_ref, g3_ref, dinvb_ref, b3_ref,
                 l1w_ref, l1b_ref, l2w_ref, l2b_ref, o_ref):
  h3 = dinvb_ref[...] * (a0_ref[...] + a1_ref[...] + g3_ref[...]) + b3_ref[...]
  h4 = jnp.maximum(jnp.dot(h3, l1w_ref[...], precision=_HI,
                           preferred_element_type=_f32) + l1b_ref[...], 0.0)
  o_ref[...] = jnp.dot(h4, l2w_ref[...], precision=_HI,
                       preferred_element_type=_f32) + l2b_ref[...]


@jax.jit
def _tc_fin(a0, a1, g3, dinvb, b3, l1w, l1b, l2w_pad, l2b_pad):
  return pl.pallas_call(
      _fin_tc_body,
      grid=(GRID,),
      in_specs=[
          pl.BlockSpec((BR, H), lambda i: (i, 0)),
          pl.BlockSpec((BR, H), lambda i: (i, 0)),
          pl.BlockSpec((BR, H), lambda i: (i, 0)),
          pl.BlockSpec((BR, H), lambda i: (i, 0)),
          pl.BlockSpec((H,), lambda i: (0,)),
          pl.BlockSpec((H, H), lambda i: (0, 0)),
          pl.BlockSpec((H,), lambda i: (0,)),
          pl.BlockSpec((H, H), lambda i: (0, 0)),
          pl.BlockSpec((H,), lambda i: (0,)),
      ],
      out_specs=pl.BlockSpec((BR, H), lambda i: (i, 0)),
      out_shape=jax.ShapeDtypeStruct((N_PAD, H), _f32),
  )(a0, a1, g3, dinvb, b3, l1w, l1b, l2w_pad, l2b_pad)



def kernel(x, edge_index, edge_weight, emb, W1, b1, W2, b2, W3, b3,
           lin1_w, lin1_b, lin2_w, lin2_b):
  x_pad = jnp.pad(x.astype(jnp.int32), (0, N_PAD - N))
  src_pad = jnp.pad(edge_index[0].astype(jnp.int32), (0, E_PAD - E))
  dst_pad = jnp.pad(edge_index[1].astype(jnp.int32), (0, E_PAD - E))
  w_pad = jnp.pad(edge_weight, (0, E_PAD - E))
  p2 = jnp.stack([src_pad.reshape(-1, EC), dst_pad.reshape(-1, EC)],
                 axis=1).reshape(-1, EC)
  l2w_pad = jnp.zeros((H, H), _f32).at[:, :2].set(lin2_w)
  l2b_pad = jnp.zeros((H,), _f32).at[:2].set(lin2_b)

  h0, degp = _sc_pre(x_pad, emb, dst_pad, w_pad)
  g1, dinvb = _tc_pre(h0, W1, degp[0], degp[1])
  acc = _sc_edge(g1, p2, w_pad)
  g2 = _tc_mid(acc[0], acc[1], g1, dinvb, b1, W2)
  acc = _sc_edge(g2, p2, w_pad)
  g3 = _tc_mid(acc[0], acc[1], g2, dinvb, b2, W3)
  acc = _sc_edge(g3, p2, w_pad)
  out = _tc_fin(acc[0], acc[1], g3, dinvb, b3, lin1_w, lin1_b,
                l2w_pad, l2b_pad)
  return out[:N, :2]

# --- scband reference (transcript-rebuilt; emitter-appended) ---
"""Pipeline reference for scband-gcn-79035988181206 (READ-ONLY COPY).

The authoritative reference and input builder live on the scoring server;
editing this copy changes nothing except your own understanding.
"""

import jax, jax.numpy as jnp
import numpy as np

N = 10000
E = 320000
VOCAB = 100000
H = 128


def _glorot(key, shape):
    fan_in, fan_out = shape
    lim = (6.0 / (fan_in + fan_out)) ** 0.5
    return jax.random.uniform(key, shape, jnp.float32, -lim, lim)


def setup_inputs(seed: int = 0) -> dict:
    key = jax.random.key(seed)
    ks = jax.random.split(key, 12)
    x = jax.random.randint(ks[0], (N,), 0, VOCAB, dtype=jnp.int64) if jax.config.jax_enable_x64 else jax.random.randint(ks[0], (N,), 0, VOCAB, dtype=jnp.int32)
    edge_index = jax.random.randint(ks[1], (2, E), 0, N, dtype=jnp.int32)
    edge_weight = jax.random.uniform(ks[2], (E,), dtype=jnp.float32)
    emb = jax.random.normal(ks[3], (VOCAB, H), dtype=jnp.float32) * 0.02
    W1 = _glorot(ks[4], (H, H)); b1 = jnp.zeros((H,), jnp.float32)
    W2 = _glorot(ks[5], (H, H)); b2 = jnp.zeros((H,), jnp.float32)
    W3 = _glorot(ks[6], (H, H)); b3 = jnp.zeros((H,), jnp.float32)
    lin1_w = _glorot(ks[7], (H, H)); lin1_b = jnp.zeros((H,), jnp.float32)
    lin2_w = _glorot(ks[8], (H, 2)); lin2_b = jnp.zeros((2,), jnp.float32)
    return {
        'x': x, 'edge_index': edge_index, 'edge_weight': edge_weight,
        'emb': emb, 'W1': W1, 'b1': b1, 'W2': W2, 'b2': b2, 'W3': W3, 'b3': b3,
        'lin1_w': lin1_w, 'lin1_b': lin1_b, 'lin2_w': lin2_w, 'lin2_b': lin2_b,
    }


def gcn_conv(h, src, dst, ew, W, b):
    # Faithful PyG GCNConv: linear transform, add self loops (weight 1),
    # symmetric deg^{-1/2} normalization, scatter-add aggregation, then bias.
    n = h.shape[0]
    h = h @ W
    loop = jnp.arange(n, dtype=src.dtype)
    s = jnp.concatenate([src, loop])
    d = jnp.concatenate([dst, loop])
    w = jnp.concatenate([ew, jnp.ones((n,), ew.dtype)])
    deg = jnp.zeros((n,), ew.dtype).at[d].add(w)
    dinv = jnp.where(deg > 0, jax.lax.rsqrt(jnp.maximum(deg, 1e-12)), 0.0)
    norm = dinv[s] * w * dinv[d]
    msg = h[s] * norm[:, None]
    out = jnp.zeros_like(h).at[d].add(msg)
    return out + b


def reference(x, edge_index, edge_weight, emb, W1, b1, W2, b2, W3, b3, lin1_w, lin1_b, lin2_w, lin2_b):
    # Eval-mode forward (dropout is identity).
    h = jnp.take(emb, x, axis=0)
    src, dst = edge_index[0], edge_index[1]
    h = jax.nn.relu(gcn_conv(h, src, dst, edge_weight, W1, b1))
    h = jax.nn.relu(gcn_conv(h, src, dst, edge_weight, W2, b2))
    h = gcn_conv(h, src, dst, edge_weight, W3, b3)
    h = jax.nn.relu(h @ lin1_w + lin1_b)
    return h @ lin2_w + lin2_b

if __name__ == "__main__":
    import jax
    _d = setup_inputs()
    print(jax.jit(kernel)(*tuple(_d.values())))

</pallas_src>

<mosaic_0001>
#map = affine_map<(d0, d1) -> (0)>
#map1 = affine_map<(d0, d1) -> (0, 0)>
#map2 = affine_map<(d0, d1) -> (0, 0, 0)>
module attributes {stable_mosaic.version = 14 : i64} {
  func.func @_pre_body(%arg0: i32, %arg1: i32, %arg2: memref<10240xi32, #tpu.memory_space<hbm>>, %arg3: memref<100000x128xf32, #tpu.memory_space<hbm>>, %arg4: memref<327680xi32, #tpu.memory_space<hbm>>, %arg5: memref<327680xf32, #tpu.memory_space<hbm>>, %arg6: memref<10240x128xf32, #tpu.memory_space<hbm>>, %arg7: memref<2x10240x128xf32, #tpu.memory_space<hbm>>, %arg8: memref<64xi32, #tpu.memory_space<vmem>>, %arg9: memref<64x128xf32, #tpu.memory_space<vmem>>, %arg10: memref<128xi32, #tpu.memory_space<vmem>>, %arg11: memref<128xf32, #tpu.memory_space<vmem>>, %arg12: memref<128x128xf32, #tpu.memory_space<vmem>>, %arg13: memref<10240x128xf32, #tpu.memory_space<vmem_shared>>, %arg14: memref<!tpu.dma_semaphore, #tpu.memory_space<semaphore_mem>>) attributes {dimension_semantics = [#tpu.dimension_semantics<core_parallel>, #tpu.dimension_semantics<subcore_parallel>], iteration_bounds = array<i64: 2, 16>, scalar_prefetch = 0 : i64, scratch_operands = 7 : i64, tpu.core_type = #tpu.core_type<sc_vector_subcore>, window_params = [{transform_indices = #map}, {transform_indices = #map1}, {transform_indices = #map}, {transform_indices = #map}, {transform_indices = #map1}, {transform_indices = #map2}]} {
    %mul3A = arith.constant 16 : i32
    %mul3A_0 = arith.muli %arg0, %mul3A : i32
    %add3A = arith.addi %mul3A_0, %arg1 : i32
    %scan3A = arith.constant 0 : i32
    %scan3A_1 = arith.constant 5 : i32
    %scan3A_2 = arith.addi %scan3A, %scan3A_1 : i32
    %scan3A_3 = arith.constant 1 : i32
    scf.for %scan3A_40 = %scan3A to %scan3A_2 step %scan3A_3  : i32 {
      %mul3A_41 = arith.constant 1 : i32
      %mul3A_42 = arith.muli %scan3A_40, %mul3A_41 : i32
      %add3A_43 = arith.constant 0 : i32
      %add3A_44 = arith.addi %add3A_43, %mul3A_42 : i32
      %mul3A_45 = arith.constant 320 : i32
      %mul3A_46 = arith.muli %add3A, %mul3A_45 : i32
      %mul3A_47 = arith.constant 64 : i32
      %mul3A_48 = arith.muli %add3A_44, %mul3A_47 : i32
      %add3A_49 = arith.addi %mul3A_46, %mul3A_48 : i32
      "tpu.region"() ({
        %run_scoped3A = tpu.sem_alloc : memref<!tpu.dma_semaphore, #tpu.memory_space<semaphore_mem>>
        %dma_start3A_54 = tpu.memref_slice %arg2[%add3A_49] : memref<10240xi32, #tpu.memory_space<hbm>> -> memref<64xi32, #tpu.memory_space<hbm>>
        %dma_start3A_55 = tpu.memref_slice %arg2[%add3A_49] : memref<10240xi32, #tpu.memory_space<hbm>> -> memref<64xi32, #tpu.memory_space<hbm>>
        tpu.enqueue_dma source(%dma_start3A_55 : memref<64xi32, #tpu.memory_space<hbm>>) target(%arg8 : memref<64xi32, #tpu.memory_space<vmem>>) target_semaphore(%run_scoped3A : memref<!tpu.dma_semaphore, #tpu.memory_space<semaphore_mem>>)
        %dma_wait3A_56 = tpu.memref_slice %arg2[%add3A_49] : memref<10240xi32, #tpu.memory_space<hbm>> -> memref<64xi32, #tpu.memory_space<hbm>>
        %dma_wait3A_57 = tpu.memref_slice %arg2[%add3A_49] : memref<10240xi32, #tpu.memory_space<hbm>> -> memref<64xi32, #tpu.memory_space<hbm>>
        tpu.wait_dma2 semaphore(%run_scoped3A : memref<!tpu.dma_semaphore, #tpu.memory_space<semaphore_mem>>) src(%dma_wait3A_57 : memref<64xi32, #tpu.memory_space<hbm>>) dst(%arg8 : memref<64xi32, #tpu.memory_space<vmem>>)
        tpu.yield
      }) : () -> ()
      %dma_start3A = arith.constant 0 : i32
      %dma_start3A_50 = arith.constant 0 : i32
      %dma_start3A_51 = tpu.memref_slice %arg3[%dma_start3A, %dma_start3A_50] : memref<100000x128xf32, #tpu.memory_space<hbm>> -> memref<100000x128xf32, #tpu.memory_space<hbm>>
      tpu.enqueue_indirect_dma source(%dma_start3A_51 : memref<100000x128xf32, #tpu.memory_space<hbm>>) target(%arg9 : memref<64x128xf32, #tpu.memory_space<vmem>>) offsets(%arg8 : memref<64xi32, #tpu.memory_space<vmem>>) semaphore(%arg14 : memref<!tpu.dma_semaphore, #tpu.memory_space<semaphore_mem>>)
      %dma_wait3A = arith.constant 0 : i32
      %dma_wait3A_52 = arith.constant 0 : i32
      %dma_wait3A_53 = tpu.memref_slice %arg3[%dma_wait3A, %dma_wait3A_52] : memref<100000x128xf32, #tpu.memory_space<hbm>> -> memref<100000x128xf32, #tpu.memory_space<hbm>>
      tpu.wait_indirect_dma semaphore(%arg14 : memref<!tpu.dma_semaphore, #tpu.memory_space<semaphore_mem>>) src(%dma_wait3A_53 : memref<100000x128xf32, #tpu.memory_space<hbm>>) dst(%arg9 : memref<64x128xf32, #tpu.memory_space<vmem>>)
      "tpu.region"() ({
        %run_scoped3A = tpu.sem_alloc : memref<!tpu.dma_semaphore, #tpu.memory_space<semaphore_mem>>
        %dma_start3A_54 = arith.constant 0 : i32
        %dma_start3A_55 = tpu.memref_slice %arg6[%add3A_49, %dma_start3A_54] : memref<10240x128xf32, #tpu.memory_space<hbm>> -> memref<64x128xf32, #tpu.memory_space<hbm>>
        %dma_start3A_56 = arith.constant 0 : i32
        %dma_start3A_57 = tpu.memref_slice %arg6[%add3A_49, %dma_start3A_56] : memref<10240x128xf32, #tpu.memory_space<hbm>> -> memref<64x128xf32, #tpu.memory_space<hbm>>
        tpu.enqueue_dma source(%arg9 : memref<64x128xf32, #tpu.memory_space<vmem>>) target(%dma_start3A_57 : memref<64x128xf32, #tpu.memory_space<hbm>>) target_semaphore(%run_scoped3A : memref<!tpu.dma_semaphore, #tpu.memory_space<semaphore_mem>>)
        %dma_wait3A_58 = arith.constant 0 : i32
        %dma_wait3A_59 = tpu.memref_slice %arg6[%add3A_49, %dma_wait3A_58] : memref<10240x128xf32, #tpu.memory_space<hbm>> -> memref<64x128xf32, #tpu.memory_space<hbm>>
        %dma_wait3A_60 = arith.constant 0 : i32
        %dma_wait3A_61 = tpu.memref_slice %arg6[%add3A_49, %dma_wait3A_60] : memref<10240x128xf32, #tpu.memory_space<hbm>> -> memref<64x128xf32, #tpu.memory_space<hbm>>
        tpu.wait_dma2 semaphore(%run_scoped3A : memref<!tpu.dma_semaphore, #tpu.memory_space<semaphore_mem>>) src(%arg9 : memref<64x128xf32, #tpu.memory_space<vmem>>) dst(%dma_wait3A_61 : memref<64x128xf32, #tpu.memory_space<hbm>>)
        tpu.yield
      }) : () -> ()
    }
    %scan3A_4 = arith.constant 5 : i32
    %scan3A_5 = arith.constant 0 : i32
    %scan3A_6 = arith.constant 128 : i32
    %scan3A_7 = arith.addi %scan3A_5, %scan3A_6 : i32
    %scan3A_8 = arith.constant 1 : i32
    scf.for %scan3A_40 = %scan3A_5 to %scan3A_7 step %scan3A_8  : i32 {
      %mul3A_41 = arith.constant 1 : i32
      %mul3A_42 = arith.muli %scan3A_40, %mul3A_41 : i32
      %add3A_43 = arith.constant 0 : i32
      %add3A_44 = arith.addi %add3A_43, %mul3A_42 : i32
      %broadcast_in_dim3A = arith.constant 0.000000e+00 : f32
      %broadcast_in_dim3A_45 = vector.broadcast %broadcast_in_dim3A : f32 to vector<16xf32>
      %swap3A = arith.index_cast %add3A_44 : i32 to index
      %swap3A_46 = arith.constant 0 : index
      %swap3A_47 = tpu.vector_load %arg12[%swap3A, %swap3A_46] {strides = array<i32>} : memref<128x128xf32, #tpu.memory_space<vmem>>, vector<16xf32>,
      tpu.vector_store %arg12[%swap3A, %swap3A_46], %broadcast_in_dim3A_45 {strides = array<i32>} : memref<128x128xf32, #tpu.memory_space<vmem>>, vector<16xf32>,
      %broadcast_in_dim3A_48 = arith.constant 0.000000e+00 : f32
      %broadcast_in_dim3A_49 = vector.broadcast %broadcast_in_dim3A_48 : f32 to vector<16xf32>
      %swap3A_50 = arith.index_cast %add3A_44 : i32 to index
      %swap3A_51 = arith.constant 16 : index
      %swap3A_52 = tpu.vector_load %arg12[%swap3A_50, %swap3A_51] {strides = array<i32>} : memref<128x128xf32, #tpu.memory_space<vmem>>, vector<16xf32>,
      tpu.vector_store %arg12[%swap3A_50, %swap3A_51], %broadcast_in_dim3A_49 {strides = array<i32>} : memref<128x128xf32, #tpu.memory_space<vmem>>, vector<16xf32>,
      %broadcast_in_dim3A_53 = arith.constant 0.000000e+00 : f32
      %broadcast_in_dim3A_54 = vector.broadcast %broadcast_in_dim3A_53 : f32 to vector<16xf32>
      %swap3A_55 = arith.index_cast %add3A_44 : i32 to index
      %swap3A_56 = arith.constant 32 : index
      %swap3A_57 = tpu.vector_load %arg12[%swap3A_55, %swap3A_56] {strides = array<i32>} : memref<128x128xf32, #tpu.memory_space<vmem>>, vector<16xf32>,
      tpu.vector_store %arg12[%swap3A_55, %swap3A_56], %broadcast_in_dim3A_54 {strides = array<i32>} : memref<128x128xf32, #tpu.memory_space<vmem>>, vector<16xf32>,
      %broadcast_in_dim3A_58 = arith.constant 0.000000e+00 : f32
      %broadcast_in_dim3A_59 = vector.broadcast %broadcast_in_dim3A_58 : f32 to vector<16xf32>
      %swap3A_60 = arith.index_cast %add3A_44 : i32 to index
      %swap3A_61 = arith.constant 48 : index
      %swap3A_62 = tpu.vector_load %arg12[%swap3A_60, %swap3A_61] {strides = array<i32>} : memref<128x128xf32, #tpu.memory_space<vmem>>, vector<16xf32>,
      tpu.vector_store %arg12[%swap3A_60, %swap3A_61], %broadcast_in_dim3A_59 {strides = array<i32>} : memref<128x128xf32, #tpu.memory_space<vmem>>, vector<16xf32>,
      %broadcast_in_dim3A_63 = arith.constant 0.000000e+00 : f32
      %broadcast_in_dim3A_64 = vector.broadcast %broadcast_in_dim3A_63 : f32 to vector<16xf32>
      %swap3A_65 = arith.index_cast %add3A_44 : i32 to index
      %swap3A_66 = arith.constant 64 : index
      %swap3A_67 = tpu.vector_load %arg12[%swap3A_65, %swap3A_66] {strides = array<i32>} : memref<128x128xf32, #tpu.memory_space<vmem>>, vector<16xf32>,
      tpu.vector_store %arg12[%swap3A_65, %swap3A_66], %broadcast_in_dim3A_64 {strides = array<i32>} : memref<128x128xf32, #tpu.memory_space<vmem>>, vector<16xf32>,
      %broadcast_in_dim3A_68 = arith.constant 0.000000e+00 : f32
      %broadcast_in_dim3A_69 = vector.broadcast %broadcast_in_dim3A_68 : f32 to vector<16xf32>
      %swap3A_70 = arith.index_cast %add3A_44 : i32 to index
      %swap3A_71 = arith.constant 80 : index
      %swap3A_72 = tpu.vector_load %arg12[%swap3A_70, %swap3A_71] {strides = array<i32>} : memref<128x128xf32, #tpu.memory_space<vmem>>, vector<16xf32>,
      tpu.vector_store %arg12[%swap3A_70, %swap3A_71], %broadcast_in_dim3A_69 {strides = array<i32>} : memref<128x128xf32, #tpu.memory_space<vmem>>, vector<16xf32>,
      %broadcast_in_dim3A_73 = arith.constant 0.000000e+00 : f32
      %broadcast_in_dim3A_74 = vector.broadcast %broadcast_in_dim3A_73 : f32 to vector<16xf32>
      %swap3A_75 = arith.index_cast %add3A_44 : i32 to index
      %swap3A_76 = arith.constant 96 : index
      %swap3A_77 = tpu.vector_load %arg12[%swap3A_75, %swap3A_76] {strides = array<i32>} : memref<128x128xf32, #tpu.memory_space<vmem>>, vector<16xf32>,
      tpu.vector_store %arg12[%swap3A_75, %swap3A_76], %broadcast_in_dim3A_74 {strides = array<i32>} : memref<128x128xf32, #tpu.memory_space<vmem>>, vector<16xf32>,
      %broadcast_in_dim3A_78 = arith.constant 0.000000e+00 : f32
      %broadcast_in_dim3A_79 = vector.broadcast %broadcast_in_dim3A_78 : f32 to vector<16xf32>
      %swap3A_80 = arith.index_cast %add3A_44 : i32 to index
      %swap3A_81 = arith.constant 112 : index
      %swap3A_82 = tpu.vector_load %arg12[%swap3A_80, %swap3A_81] {strides = array<i32>} : memref<128x128xf32, #tpu.memory_space<vmem>>, vector<16xf32>,
      tpu.vector_store %arg12[%swap3A_80, %swap3A_81], %broadcast_in_dim3A_79 {strides = array<i32>} : memref<128x128xf32, #tpu.memory_space<vmem>>, vector<16xf32>,
    }
    %scan3A_9 = arith.constant 128 : i32
    %mul3A_10 = arith.constant 640 : i32
    %mul3A_11 = arith.muli %arg1, %mul3A_10 : i32
    %add3A_12 = arith.constant 0 : i32
    %add3A_13 = arith.addi %mul3A_11, %add3A_12 : i32
    "tpu.region"() ({
      %run_scoped3A = tpu.sem_alloc : memref<!tpu.dma_semaphore, #tpu.memory_space<semaphore_mem>>
      %dma_start3A = arith.constant 0 : i32
      %dma_start3A_40 = tpu.memref_slice %arg13[%add3A_13, %dma_start3A] : memref<10240x128xf32, #tpu.memory_space<vmem_shared>> -> memref<128x128xf32, #tpu.memory_space<vmem_shared>>
      %dma_start3A_41 = arith.constant 0 : i32
      %dma_start3A_42 = tpu.memref_slice %arg13[%add3A_13, %dma_start3A_41] : memref<10240x128xf32, #tpu.memory_space<vmem_shared>> -> memref<128x128xf32, #tpu.memory_space<vmem_shared>>
      tpu.enqueue_dma source(%arg12 : memref<128x128xf32, #tpu.memory_space<vmem>>) target(%dma_start3A_42 : memref<128x128xf32, #tpu.memory_space<vmem_shared>>) target_semaphore(%run_scoped3A : memref<!tpu.dma_semaphore, #tpu.memory_space<semaphore_mem>>)
      %dma_wait3A = arith.constant 0 : i32
      %dma_wait3A_43 = tpu.memref_slice %arg13[%add3A_13, %dma_wait3A] : memref<10240x128xf32, #tpu.memory_space<vmem_shared>> -> memref<128x128xf32, #tpu.memory_space<vmem_shared>>
      %dma_wait3A_44 = arith.constant 0 : i32
      %dma_wait3A_45 = tpu.memref_slice %arg13[%add3A_13, %dma_wait3A_44] : memref<10240x128xf32, #tpu.memory_space<vmem_shared>> -> memref<128x128xf32, #tpu.memory_space<vmem_shared>>
      tpu.wait_dma2 semaphore(%run_scoped3A : memref<!tpu.dma_semaphore, #tpu.memory_space<semaphore_mem>>) src(%arg12 : memref<128x128xf32, #tpu.memory_space<vmem>>) dst(%dma_wait3A_45 : memref<128x128xf32, #tpu.memory_space<vmem_shared>>)
      tpu.yield
    }) : () -> ()
    %mul3A_14 = arith.constant 640 : i32
    %mul3A_15 = arith.muli %arg1, %mul3A_14 : i32
    %add3A_16 = arith.constant 128 : i32
    %add3A_17 = arith.addi %mul3A_15, %add3A_16 : i32
    "tpu.region"() ({
      %run_scoped3A = tpu.sem_alloc : memref<!tpu.dma_semaphore, #tpu.memory_space<semaphore_mem>>
      %dma_start3A = arith.constant 0 : i32
      %dma_start3A_40 = tpu.memref_slice %arg13[%add3A_17, %dma_start3A] : memref<10240x128xf32, #tpu.memory_space<vmem_shared>> -> memref<128x128xf32, #tpu.memory_space<vmem_shared>>
      %dma_start3A_41 = arith.constant 0 : i32
      %dma_start3A_42 = tpu.memref_slice %arg13[%add3A_17, %dma_start3A_41] : memref<10240x128xf32, #tpu.memory_space<vmem_shared>> -> memref<128x128xf32, #tpu.memory_space<vmem_shared>>
      tpu.enqueue_dma source(%arg12 : memref<128x128xf32, #tpu.memory_space<vmem>>) target(%dma_start3A_42 : memref<128x128xf32, #tpu.memory_space<vmem_shared>>) target_semaphore(%run_scoped3A : memref<!tpu.dma_semaphore, #tpu.memory_space<semaphore_mem>>)
      %dma_wait3A = arith.constant 0 : i32
      %dma_wait3A_43 = tpu.memref_slice %arg13[%add3A_17, %dma_wait3A] : memref<10240x128xf32, #tpu.memory_space<vmem_shared>> -> memref<128x128xf32, #tpu.memory_space<vmem_shared>>
      %dma_wait3A_44 = arith.constant 0 : i32
      %dma_wait3A_45 = tpu.memref_slice %arg13[%add3A_17, %dma_wait3A_44] : memref<10240x128xf32, #tpu.memory_space<vmem_shared>> -> memref<128x128xf32, #tpu.memory_space<vmem_shared>>
      tpu.wait_dma2 semaphore(%run_scoped3A : memref<!tpu.dma_semaphore, #tpu.memory_space<semaphore_mem>>) src(%arg12 : memref<128x128xf32, #tpu.memory_space<vmem>>) dst(%dma_wait3A_45 : memref<128x128xf32, #tpu.memory_space<vmem_shared>>)
      tpu.yield
    }) : () -> ()
    %mul3A_18 = arith.constant 640 : i32
    %mul3A_19 = arith.muli %arg1, %mul3A_18 : i32
    %add3A_20 = arith.constant 256 : i32
    %add3A_21 = arith.addi %mul3A_19, %add3A_20 : i32
    "tpu.region"() ({
      %run_scoped3A = tpu.sem_alloc : memref<!tpu.dma_semaphore, #tpu.memory_space<semaphore_mem>>
      %dma_start3A = arith.constant 0 : i32
      %dma_start3A_40 = tpu.memref_slice %arg13[%add3A_21, %dma_start3A] : memref<10240x128xf32, #tpu.memory_space<vmem_shared>> -> memref<128x128xf32, #tpu.memory_space<vmem_shared>>
      %dma_start3A_41 = arith.constant 0 : i32
      %dma_start3A_42 = tpu.memref_slice %arg13[%add3A_21, %dma_start3A_41] : memref<10240x128xf32, #tpu.memory_space<vmem_shared>> -> memref<128x128xf32, #tpu.memory_space<vmem_shared>>
      tpu.enqueue_dma source(%arg12 : memref<128x128xf32, #tpu.memory_space<vmem>>) target(%dma_start3A_42 : memref<128x128xf32, #tpu.memory_space<vmem_shared>>) target_semaphore(%run_scoped3A : memref<!tpu.dma_semaphore, #tpu.memory_space<semaphore_mem>>)
      %dma_wait3A = arith.constant 0 : i32
      %dma_wait3A_43 = tpu.memref_slice %arg13[%add3A_21, %dma_wait3A] : memref<10240x128xf32, #tpu.memory_space<vmem_shared>> -> memref<128x128xf32, #tpu.memory_space<vmem_shared>>
      %dma_wait3A_44 = arith.constant 0 : i32
      %dma_wait3A_45 = tpu.memref_slice %arg13[%add3A_21, %dma_wait3A_44] : memref<10240x128xf32, #tpu.memory_space<vmem_shared>> -> memref<128x128xf32, #tpu.memory_space<vmem_shared>>
      tpu.wait_dma2 semaphore(%run_scoped3A : memref<!tpu.dma_semaphore, #tpu.memory_space<semaphore_mem>>) src(%arg12 : memref<128x128xf32, #tpu.memory_space<vmem>>) dst(%dma_wait3A_45 : memref<128x128xf32, #tpu.memory_space<vmem_shared>>)
      tpu.yield
    }) : () -> ()
    %mul3A_22 = arith.constant 640 : i32
    %mul3A_23 = arith.muli %arg1, %mul3A_22 : i32
    %add3A_24 = arith.constant 384 : i32
    %add3A_25 = arith.addi %mul3A_23, %add3A_24 : i32
    "tpu.region"() ({
      %run_scoped3A = tpu.sem_alloc : memref<!tpu.dma_semaphore, #tpu.memory_space<semaphore_mem>>
      %dma_start3A = arith.constant 0 : i32
      %dma_start3A_40 = tpu.memref_slice %arg13[%add3A_25, %dma_start3A] : memref<10240x128xf32, #tpu.memory_space<vmem_shared>> -> memref<128x128xf32, #tpu.memory_space<vmem_shared>>
      %dma_start3A_41 = arith.constant 0 : i32
      %dma_start3A_42 = tpu.memref_slice %arg13[%add3A_25, %dma_start3A_41] : memref<10240x128xf32, #tpu.memory_space<vmem_shared>> -> memref<128x128xf32, #tpu.memory_space<vmem_shared>>
      tpu.enqueue_dma source(%arg12 : memref<128x128xf32, #tpu.memory_space<vmem>>) target(%dma_start3A_42 : memref<128x128xf32, #tpu.memory_space<vmem_shared>>) target_semaphore(%run_scoped3A : memref<!tpu.dma_semaphore, #tpu.memory_space<semaphore_mem>>)
      %dma_wait3A = arith.constant 0 : i32
      %dma_wait3A_43 = tpu.memref_slice %arg13[%add3A_25, %dma_wait3A] : memref<10240x128xf32, #tpu.memory_space<vmem_shared>> -> memref<128x128xf32, #tpu.memory_space<vmem_shared>>
      %dma_wait3A_44 = arith.constant 0 : i32
      %dma_wait3A_45 = tpu.memref_slice %arg13[%add3A_25, %dma_wait3A_44] : memref<10240x128xf32, #tpu.memory_space<vmem_shared>> -> memref<128x128xf32, #tpu.memory_space<vmem_shared>>
      tpu.wait_dma2 semaphore(%run_scoped3A : memref<!tpu.dma_semaphore, #tpu.memory_space<semaphore_mem>>) src(%arg12 : memref<128x128xf32, #tpu.memory_space<vmem>>) dst(%dma_wait3A_45 : memref<128x128xf32, #tpu.memory_space<vmem_shared>>)
      tpu.yield
    }) : () -> ()
    %mul3A_26 = arith.constant 640 : i32
    %mul3A_27 = arith.muli %arg1, %mul3A_26 : i32
    %add3A_28 = arith.constant 512 : i32
    %add3A_29 = arith.addi %mul3A_27, %add3A_28 : i32
    "tpu.region"() ({
      %run_scoped3A = tpu.sem_alloc : memref<!tpu.dma_semaphore, #tpu.memory_space<semaphore_mem>>
      %dma_start3A = arith.constant 0 : i32
      %dma_start3A_40 = tpu.memref_slice %arg13[%add3A_29, %dma_start3A] : memref<10240x128xf32, #tpu.memory_space<vmem_shared>> -> memref<128x128xf32, #tpu.memory_space<vmem_shared>>
      %dma_start3A_41 = arith.constant 0 : i32
      %dma_start3A_42 = tpu.memref_slice %arg13[%add3A_29, %dma_start3A_41] : memref<10240x128xf32, #tpu.memory_space<vmem_shared>> -> memref<128x128xf32, #tpu.memory_space<vmem_shared>>
      tpu.enqueue_dma source(%arg12 : memref<128x128xf32, #tpu.memory_space<vmem>>) target(%dma_start3A_42 : memref<128x128xf32, #tpu.memory_space<vmem_shared>>) target_semaphore(%run_scoped3A : memref<!tpu.dma_semaphore, #tpu.memory_space<semaphore_mem>>)
      %dma_wait3A = arith.constant 0 : i32
      %dma_wait3A_43 = tpu.memref_slice %arg13[%add3A_29, %dma_wait3A] : memref<10240x128xf32, #tpu.memory_space<vmem_shared>> -> memref<128x128xf32, #tpu.memory_space<vmem_shared>>
      %dma_wait3A_44 = arith.constant 0 : i32
      %dma_wait3A_45 = tpu.memref_slice %arg13[%add3A_29, %dma_wait3A_44] : memref<10240x128xf32, #tpu.memory_space<vmem_shared>> -> memref<128x128xf32, #tpu.memory_space<vmem_shared>>
      tpu.wait_dma2 semaphore(%run_scoped3A : memref<!tpu.dma_semaphore, #tpu.memory_space<semaphore_mem>>) src(%arg12 : memref<128x128xf32, #tpu.memory_space<vmem>>) dst(%dma_wait3A_45 : memref<128x128xf32, #tpu.memory_space<vmem_shared>>)
      tpu.yield
    }) : () -> ()
    %barrier3A = arith.constant 0 : index
    tpu.barrier barrier_id(%barrier3A)
    %scan3A_30 = arith.constant 0 : i32
    %scan3A_31 = arith.constant 80 : i32
    %scan3A_32 = arith.addi %scan3A_30, %scan3A_31 : i32
    %scan3A_33 = arith.constant 1 : i32
    scf.for %scan3A_40 = %scan3A_30 to %scan3A_32 step %scan3A_33  : i32 {
      %mul3A_41 = arith.constant 1 : i32
      %mul3A_42 = arith.muli %scan3A_40, %mul3A_41 : i32
      %add3A_43 = arith.constant 0 : i32
      %add3A_44 = arith.addi %add3A_43, %mul3A_42 : i32
      %mul3A_45 = arith.constant 10240 : i32
      %mul3A_46 = arith.muli %add3A, %mul3A_45 : i32
      %mul3A_47 = arith.constant 128 : i32
      %mul3A_48 = arith.muli %add3A_44, %mul3A_47 : i32
      %add3A_49 = arith.addi %mul3A_46, %mul3A_48 : i32
      "tpu.region"() ({
        %run_scoped3A = tpu.sem_alloc : memref<!tpu.dma_semaphore, #tpu.memory_space<semaphore_mem>>
        %dma_start3A = tpu.memref_slice %arg5[%add3A_49] : memref<327680xf32, #tpu.memory_space<hbm>> -> memref<128xf32, #tpu.memory_space<hbm>>
        %dma_start3A_55 = tpu.memref_slice %arg5[%add3A_49] : memref<327680xf32, #tpu.memory_space<hbm>> -> memref<128xf32, #tpu.memory_space<hbm>>
        tpu.enqueue_dma source(%dma_start3A_55 : memref<128xf32, #tpu.memory_space<hbm>>) target(%arg11 : memref<128xf32, #tpu.memory_space<vmem>>) target_semaphore(%run_scoped3A : memref<!tpu.dma_semaphore, #tpu.memory_space<semaphore_mem>>)
        %dma_wait3A = tpu.memref_slice %arg5[%add3A_49] : memref<327680xf32, #tpu.memory_space<hbm>> -> memref<128xf32, #tpu.memory_space<hbm>>
        %dma_wait3A_56 = tpu.memref_slice %arg5[%add3A_49] : memref<327680xf32, #tpu.memory_space<hbm>> -> memref<128xf32, #tpu.memory_space<hbm>>
        tpu.wait_dma2 semaphore(%run_scoped3A : memref<!tpu.dma_semaphore, #tpu.memory_space<semaphore_mem>>) src(%dma_wait3A_56 : memref<128xf32, #tpu.memory_space<hbm>>) dst(%arg11 : memref<128xf32, #tpu.memory_space<vmem>>)
        tpu.yield
      }) : () -> ()
      "tpu.region"() ({
        %run_scoped3A = tpu.sem_alloc : memref<!tpu.dma_semaphore, #tpu.memory_space<semaphore_mem>>
        %dma_start3A = tpu.memref_slice %arg4[%add3A_49] : memref<327680xi32, #tpu.memory_space<hbm>> -> memref<128xi32, #tpu.memory_space<hbm>>
        %dma_start3A_55 = tpu.memref_slice %arg4[%add3A_49] : memref<327680xi32, #tpu.memory_space<hbm>> -> memref<128xi32, #tpu.memory_space<hbm>>
        tpu.enqueue_dma source(%dma_start3A_55 : memref<128xi32, #tpu.memory_space<hbm>>) target(%arg10 : memref<128xi32, #tpu.memory_space<vmem>>) target_semaphore(%run_scoped3A : memref<!tpu.dma_semaphore, #tpu.memory_space<semaphore_mem>>)
        %dma_wait3A = tpu.memref_slice %arg4[%add3A_49] : memref<327680xi32, #tpu.memory_space<hbm>> -> memref<128xi32, #tpu.memory_space<hbm>>
        %dma_wait3A_56 = tpu.memref_slice %arg4[%add3A_49] : memref<327680xi32, #tpu.memory_space<hbm>> -> memref<128xi32, #tpu.memory_space<hbm>>
        tpu.wait_dma2 semaphore(%run_scoped3A : memref<!tpu.dma_semaphore, #tpu.memory_space<semaphore_mem>>) src(%dma_wait3A_56 : memref<128xi32, #tpu.memory_space<hbm>>) dst(%arg10 : memref<128xi32, #tpu.memory_space<vmem>>)
        tpu.yield
      }) : () -> ()
      %scan3A_50 = arith.constant 0 : i32
      %scan3A_51 = arith.constant 128 : i32
      %scan3A_52 = arith.addi %scan3A_50, %scan3A_51 : i32
      %scan3A_53 = arith.constant 1 : i32
      scf.for %scan3A_55 = %scan3A_50 to %scan3A_52 step %scan3A_53  : i32 {
        %mul3A_56 = arith.constant 1 : i32
        %mul3A_57 = arith.muli %scan3A_55, %mul3A_56 : i32
        %add3A_58 = arith.constant 0 : i32
        %add3A_59 = arith.addi %add3A_58, %mul3A_57 : i32
        %broadcast_in_dim3A = vector.broadcast %add3A_59 : i32 to vector<16xi32>
        %gather3A = tpu.vector_load_idx %arg11[%broadcast_in_dim3A] : memref<128xf32, #tpu.memory_space<vmem>>[vector<16xi32>], vector<16xf32>,
        %swap3A = arith.index_cast %add3A_59 : i32 to index
        %swap3A_60 = arith.constant 0 : index
        %swap3A_61 = tpu.vector_load %arg12[%swap3A, %swap3A_60] {strides = array<i32>} : memref<128x128xf32, #tpu.memory_space<vmem>>, vector<16xf32>,
        tpu.vector_store %arg12[%swap3A, %swap3A_60], %gather3A {strides = array<i32>} : memref<128x128xf32, #tpu.memory_space<vmem>>, vector<16xf32>,
      }
      %scan3A_54 = arith.constant 128 : i32
      "tpu.region"() ({
        %run_scoped3A = tpu.sem_alloc : memref<!tpu.dma_semaphore, #tpu.memory_space<semaphore_mem>>
        %dma_start3A = arith.constant 0 : i32
        %dma_start3A_55 = arith.constant 0 : i32
        %dma_start3A_56 = tpu.memref_slice %arg13[%dma_start3A, %dma_start3A_55] : memref<10240x128xf32, #tpu.memory_space<vmem_shared>> -> memref<10240x128xf32, #tpu.memory_space<vmem_shared>>
        tpu.enqueue_indirect_dma source(%arg12 : memref<128x128xf32, #tpu.memory_space<vmem>>) target(%dma_start3A_56 : memref<10240x128xf32, #tpu.memory_space<vmem_shared>>) offsets(%arg10 : memref<128xi32, #tpu.memory_space<vmem>>) semaphore(%run_scoped3A : memref<!tpu.dma_semaphore, #tpu.memory_space<semaphore_mem>>) {add = true}
        %dma_wait3A = arith.constant 0 : i32
        %dma_wait3A_57 = arith.constant 0 : i32
        %dma_wait3A_58 = tpu.memref_slice %arg13[%dma_wait3A, %dma_wait3A_57] : memref<10240x128xf32, #tpu.memory_space<vmem_shared>> -> memref<10240x128xf32, #tpu.memory_space<vmem_shared>>
        tpu.wait_indirect_dma semaphore(%run_scoped3A : memref<!tpu.dma_semaphore, #tpu.memory_space<semaphore_mem>>) src(%arg12 : memref<128x128xf32, #tpu.memory_space<vmem>>) dst(%dma_wait3A_58 : memref<10240x128xf32, #tpu.memory_space<vmem_shared>>)
        tpu.yield
      }) : () -> ()
    }
    %scan3A_34 = arith.constant 80 : i32
    %barrier3A_35 = arith.constant 0 : index
    tpu.barrier barrier_id(%barrier3A_35)
    %mul3A_36 = arith.constant 640 : i32
    %mul3A_37 = arith.muli %arg1, %mul3A_36 : i32
    %mul3A_38 = arith.constant 640 : i32
    %mul3A_39 = arith.muli %arg1, %mul3A_38 : i32
    "tpu.region"() ({
      %run_scoped3A = tpu.sem_alloc : memref<!tpu.dma_semaphore, #tpu.memory_space<semaphore_mem>>
      %dma_start3A = arith.constant 0 : i32
      %dma_start3A_40 = arith.constant 0 : i32
      %dma_start3A_41 = tpu.memref_slice %arg7[%arg0, %dma_start3A, %dma_start3A_40] : memref<2x10240x128xf32, #tpu.memory_space<hbm>> -> memref<1x10240x128xf32, #tpu.memory_space<hbm>>
      %dma_start3A_42 = tpu.memref_squeeze %dma_start3A_41 : memref<1x10240x128xf32, #tpu.memory_space<hbm>> -> memref<10240x128xf32, #tpu.memory_space<hbm>>
      %dma_start3A_43 = arith.constant 0 : i32
      %dma_start3A_44 = tpu.memref_slice %dma_start3A_42[%mul3A_39, %dma_start3A_43] : memref<10240x128xf32, #tpu.memory_space<hbm>> -> memref<640x128xf32, #tpu.memory_space<hbm>>
      %dma_start3A_45 = arith.constant 0 : i32
      %dma_start3A_46 = tpu.memref_slice %arg13[%mul3A_37, %dma_start3A_45] : memref<10240x128xf32, #tpu.memory_space<vmem_shared>> -> memref<640x128xf32, #tpu.memory_space<vmem_shared>>
      tpu.enqueue_dma source(%dma_start3A_46 : memref<640x128xf32, #tpu.memory_space<vmem_shared>>) target(%dma_start3A_44 : memref<640x128xf32, #tpu.memory_space<hbm>>) target_semaphore(%run_scoped3A : memref<!tpu.dma_semaphore, #tpu.memory_space<semaphore_mem>>)
      %dma_wait3A = arith.constant 0 : i32
      %dma_wait3A_47 = arith.constant 0 : i32
      %dma_wait3A_48 = tpu.memref_slice %arg7[%arg0, %dma_wait3A, %dma_wait3A_47] : memref<2x10240x128xf32, #tpu.memory_space<hbm>> -> memref<1x10240x128xf32, #tpu.memory_space<hbm>>
      %dma_wait3A_49 = tpu.memref_squeeze %dma_wait3A_48 : memref<1x10240x128xf32, #tpu.memory_space<hbm>> -> memref<10240x128xf32, #tpu.memory_space<hbm>>
      %dma_wait3A_50 = arith.constant 0 : i32
      %dma_wait3A_51 = tpu.memref_slice %dma_wait3A_49[%mul3A_39, %dma_wait3A_50] : memref<10240x128xf32, #tpu.memory_space<hbm>> -> memref<640x128xf32, #tpu.memory_space<hbm>>
      %dma_wait3A_52 = arith.constant 0 : i32
      %dma_wait3A_53 = tpu.memref_slice %arg13[%mul3A_37, %dma_wait3A_52] : memref<10240x128xf32, #tpu.memory_space<vmem_shared>> -> memref<640x128xf32, #tpu.memory_space<vmem_shared>>
      tpu.wait_dma2 semaphore(%run_scoped3A : memref<!tpu.dma_semaphore, #tpu.memory_space<semaphore_mem>>) src(%dma_wait3A_53 : memref<640x128xf32, #tpu.memory_space<vmem_shared>>) dst(%dma_wait3A_51 : memref<640x128xf32, #tpu.memory_space<hbm>>)
      tpu.yield
    }) : () -> ()
    return
  }
}

</mosaic_0001>

<sc_bundles>
// kernel: _sc_pre.3.cloned.1.call-start
scs
__scs_entry_jumppad:
0x0: {  	(pc) =	sbr.rel $0x88, $3  }
0x1: {  	(tag) =	ssettag $0x0;
	lr =	simm.s32 $0x1  }
0x2: {  	[smem:$0x3F9D] =	sst lr;
	_ =	strace $0xD0000000  }
0x3: {  	_ = 	snop  }
0x4: {  	_ = 	snop  }
0x5: {  	_ = 	snop  }
0x6: {  	_ = 	snop  }
0x7: {  	_ = 	snop  }
__scs_overlays_trampoline_lowered:
0x8: {  	[smem:$0x3FAC] =	sst s0  }
0x9: {  	[smem:$0x3FAD] =	sst s1  }
0xa: {  	[smem:$0x3FAE] =	sst s2  }
0xb: {  	[smem:$0x3FAF] =	sst s3  }
0xc: {  	[smem:$0x3FB0] =	sst s4  }
0xd: {  	[smem:$0x3FB1] =	sst s5  }
0xe: {  	[smem:$0x3FB2] =	sst s6  }
0xf: {  	[smem:$0x3FB3] =	sst s7  }
0x10: {  	[smem:$0x3FB4] =	sst s8  }
0x11: {  	[smem:$0x3FB5] =	sst s9;
	s0 =	simm.s32 @!p0 $0x0  }
0x12: {  	s1 =	sld [smem:$0x3F9B];
	s0 =	simm.s32 @p0 $0x1  }
0x13: {  	[smem:$0x3FB6] =	sst s0;
	s0 =	simm.s32 @!p1 $0x0  }
0x14: {  	s2 =	sld [smem:$0x3F9A];
	s0 =	simm.s32 @p1 $0x1  }
0x15: {  	[smem:$0x3FB7] =	sst s0;
	s0 =	simm.s32 @!p2 $0x0  }
0x16: {  	s3 =	sld [smem:$0x3FDB];
	s0 =	simm.s32 @p2 $0x1  }
0x17: {  	s4 =	simm.s32 $0x1BF5;
	[smem:$0x3FB9] =	sst s0  }
0x18: {  	s0 =	sld [smem:$0x3F9C];
	_ =	swait.ge [sflag:s4], $0x0  }
0x19: {  	s7 =	sld [smem:$0x3F9D]  }
0x1a: {  	s8 =	sadd.s32 $0xFFFFE003, lr  }
0x1b: {  	s9 =	sadd.s32 $0xFFFFFEF7, lr;
	s5 =	simm.s32 $0xFFFFFFFF;
	p2 =	slt.u32 s8, $0xFFFFF086  }
0x1c: {  	p1 =	slt.u32 s9, $0xF7A;
	s5 =	simm.s32 @!p2 $0x0  }
0x1d: {  	s5 =	simm.s32 @p1 $0x1;
	p0 =	seq.s32 s7, s2  }
0x1e: {  	s7 =	smul.u32 @!p0 $0xF7A, s2;
	p2 =	seq.s32 @!p0 s5, $0x0  }
0x1f: {  	s9 =	smul.u32 $0xF7A, s1;
	s8 =	simm.s32 @!p0 $0x1BF5;
	p2 =	por !p2, p0  }
0x20: {  	[sflag:s8] =	ssyncset.s32 @!p0 $0xFFFFF086;
	s6 =	sadd.s32 @!p0 s3, s7;
	s7 =	simm.s32 @!p0 $0x108  }
0x21: {  	s3 =	sadd.s32 s3, s9;
	s6 =	sadd.s32 @!p0 $0x88, s6;
	s7 =	simm.s32 @p2 $0x1082  }
0x22: {  	[simem:s7], [sflag:s8] =	dma.local @!p0 [hbm:s6], $0xF7A  }
0x23: {  	s9 =	sor.u32 $0xD0000000, s2;
	s6 =	simm.s32 $0x108;
	_ =	swait.ge @!p0 [sflag:s8], $0x0  }
0x24: {  	s3 =	sadd.s32 $0x88, s3;
	s6 =	simm.s32 @!p1 $0x1082;
	[sflag:s4] =	ssyncset.s32 $0xFFFFF086  }
0x25: {  	[simem:s6], [sflag:s4] =	dma.local [hbm:s3], $0xF7A  }
0x26: {  	[smem:$0x3F9D] =	sst s1;
	(tag) =	ssettag s2;
	_ =	strace s9  }
0x27: {  	s1 =	sld [smem:$0x3FAD]  }
0x28: {  	s2 =	sld [smem:$0x3FAE]  }
0x29: {  	s4 =	sld [smem:$0x3FB0]  }
0x2a: {  	p0 =	seq.s32 s5, $0x0;
	s5 =	sld [smem:$0x3FB1]  }
0x2b: {  	s6 =	sld [smem:$0x3FB2]  }
0x2c: {  	s7 =	sld [smem:$0x3FB3]  }
0x2d: {  	s3 =	simm.s32 $0x108;
	s8 =	sld [smem:$0x3FB4]  }
0x2e: {  	s3 =	simm.s32 @!p0 $0x1082;
	s9 =	sld [smem:$0x3FB5]  }
0x2f: {  	lr =	sadd.s32 s0, s3;
	s0 =	sld [smem:$0x3FAC]  }
0x30: {  	s3 =	sld [smem:$0x3FAF]  }
0x31: {  	[smem:$0x3FB8] =	sst s10  }
0x32: {  	s10 =	sld [smem:$0x3FB6];
	_ =	sdelay $0x3  }
0x33: {  	p0 =	seq.s32 s10, $0x1;
	s10 =	sld [smem:$0x3FB8];
	_ =	sdelay $0x3  }
0x34: {  	[smem:$0x3FB8] =	sst s10  }
0x35: {  	s10 =	sld [smem:$0x3FB7];
	_ =	sdelay $0x3  }
0x36: {  	p1 =	seq.s32 s10, $0x1;
	s10 =	sld [smem:$0x3FB8];
	_ =	sdelay $0x3  }
0x37: {  	[smem:$0x3FB8] =	sst s10  }
0x38: {  	s10 =	sld [smem:$0x3FB9]  }
0x39: {  	_ = 	snop;
	(pc) =	sbr.ind lr, $3  }
0x3a: {  	_ = 	snop  }
0x3b: {  	_ = 	snop  }
0x3c: {  	p2 =	seq.s32 s10, $0x1;
	s10 =	sld [smem:$0x3FB8]  }
0x3d: {  	_ =	shalt  }
0x3e: {  	_ =	shalt  }
0x3f: {  	_ =	shalt  }
0x40: {  	_ =	shalt  }
0x41: {  	_ =	shalt  }
0x42: {  	_ =	shalt  }
0x43: {  	_ =	shalt  }
0x44: {  	_ =	shalt  }
0x45: {  	_ =	shalt  }
0x46: {  	_ =	shalt  }
0x47: {  	_ =	shalt  }
0x48: {  	_ =	shalt  }
0x49: {  	_ =	shalt  }
0x4a: {  	_ =	shalt  }
0x4b: {  	_ =	shalt  }
0x4c: {  	_ =	shalt  }
0x4d: {  	_ =	shalt  }
0x4e: {  	_ =	shalt  }
0x4f: {  	_ =	shalt  }
0x50: {  	_ =	shalt  }
0x51: {  	_ =	shalt  }
0x52: {  	_ =	shalt  }
0x53: {  	_ =	shalt  }
0x54: {  	_ =	shalt  }
0x55: {  	_ =	shalt  }
0x56: {  	_ =	shalt  }
0x57: {  	_ =	shalt  }
0x58: {  	_ =	shalt  }
0x59: {  	_ =	shalt  }
0x5a: {  	_ =	shalt  }
0x5b: {  	_ =	shalt  }
0x5c: {  	_ =	shalt  }
0x5d: {  	_ =	shalt  }
0x5e: {  	_ =	shalt  }
0x5f: {  	_ =	shalt  }
0x60: {  	_ =	shalt  }
0x61: {  	_ =	shalt  }
0x62: {  	_ =	shalt  }
0x63: {  	_ =	shalt  }
0x64: {  	_ =	shalt  }
0x65: {  	_ =	shalt  }
0x66: {  	_ =	shalt  }
0x67: {  	_ =	shalt  }
0x68: {  	_ =	shalt  }
0x69: {  	_ =	shalt  }
0x6a: {  	_ =	shalt  }
0x6b: {  	_ =	shalt  }
0x6c: {  	_ =	shalt  }
0x6d: {  	_ =	shalt  }
0x6e: {  	_ =	shalt  }
0x6f: {  	_ =	shalt  }
0x70: {  	_ =	shalt  }
0x71: {  	_ =	shalt  }
0x72: {  	_ =	shalt  }
0x73: {  	_ =	shalt  }
0x74: {  	_ =	shalt  }
0x75: {  	_ =	shalt  }
0x76: {  	_ =	shalt  }
0x77: {  	_ =	shalt  }
0x78: {  	_ =	shalt  }
0x79: {  	_ =	shalt  }
0x7a: {  	_ =	shalt  }
0x7b: {  	_ =	shalt  }
0x7c: {  	_ =	shalt  }
0x7d: {  	_ =	shalt  }
0x7e: {  	_ =	shalt  }
0x7f: {  	_ =	shalt  }
0x80: {  	_ =	shalt  }
0x81: {  	_ =	shalt  }
0x82: {  	_ =	shalt  }
0x83: {  	_ =	shalt  }
0x84: {  	_ =	shalt  }
0x85: {  	_ =	shalt  }
0x86: {  	_ =	shalt  }
0x87: {  	_ =	shalt  }
.Lfunc_end0:
.L_simem_size_0:
called_computation_lowered:
.L_overlay_start_0:
0x88: {  	s2 =	sld [smem:$0x3FD9]  }
0x89: {  	s3 =	sld [smem:$0x3FFE];
	_ =	sdelay $0x1  }
0x8a: {  	s1 =	srdreg.scid  }
0x8b: {  	s0 =	sand.u32 $0x1, s1  }
0x8c: {  	s15 =	sshll.u32 s0, $0xA;
	s2 =	sadd.s32 s3, s2  }
0x8d: {  	s2 =	sadd.s32 s2, s15  }
0x8e: {  	[smem:$0x3FC4] =	sst s2  }
0x8f: {  	_ = 	snop  }
0x90: {  	s2 =	sld [smem:$0x3FC9]  }
0x91: {  	s16 =	sld [smem:$0x3FD0]  }
0x92: {  	s4 =	sld [smem:$0x3FC8]  }
0x93: {  	s5 =	sld [smem:$0x3FC7]  }
0x94: {  	s7 =	simm.s32 $0xA;
	s8 =	simm.s32 $0x10;
	s6 =	sld [smem:$0x3FC6]  }
0x95: {  	[smem:s8], [sflag:s7] =	dma.local [hbm:s16], $0x1  }
0x96: {  	_ =	swait.eq [sflag:s7], $0x1  }
0x97: {  	[sflag:s7] =	ssyncset.done $0x0  }
0x98: {  	s17 =	sld [smem:$0x10];
	[sflag:s7] =	ssyncadd.s32 $0xFFFFFFFF  }
0x99: {  	s18 =	sld [smem:$0x11];
	(tm) =	ssettm $0x1  }
0x9a: {  	s19 =	sld [smem:$0x3FFB];
	_ =	sdelay $0x3  }
0x9b: {  	_ =	strace s19  }
0x9c: {  	s8 =	sld [smem:$0x3FFC];
	_ =	sdelay $0x3  }
0x9d: {  	_ =	strace s8  }
0x9e: {  	s8 =	sld [smem:$0x3FFD];
	_ =	sdelay $0x3  }
0x9f: {  	_ =	strace s8  }
0xa0: {  	_ =	strace $0x8FFFFFFF  }
0xa1: {  	s20 =	sld [smem:$0x3FDB];
	_ =	sdelay $0x1  }
0xa2: {  	s9 =	simm.s32 $_scs_section_size  }
0xa3: {  	s10 =	simm.s32 $_size__tile_overlayer_lowered;
	s11 =	simm.s32 $_tile_overlayer_lowered  }
0xa4: {  	s23 =	simm.s32 $0x1BFF;
	s22 =	sshll.u32 s11, $0x1;
	s8 =	sadd.s32 s9, s20  }
0xa5: {  	s12 =	simm.s32 $0x0;
	s21 =	sshll.u32 s10, $0x1;
	s10 =	sadd.s32 s22, s8  }
0xa6: {  	[timem:s12], [sflag:s23] =	dma.local [hbm:s10], s21  }
0xa7: {  	_ =	swait.ge [sflag:s23], s21  }
0xa8: {  	s9 =	ssub.s32 $0x0, s21;
	[sflag:s23] =	ssyncset.done $0x0  }
0xa9: {  	[sflag:s23] =	ssyncadd.s32 s9;
	_ =	sdelay $0x1  }
0xaa: {  	s24 =	simm.s32 $0x1B8B  }
0xab: {  	_ =	swait.ge [sflag:s24], $0x1  }
0xac: {  	[sflag:s24] =	ssyncset.done $0x0  }
0xad: {  	s25 =	simm.s32 $0x1B8E;
	[sflag:s24] =	ssyncadd.s32 $0xFFFFFFFF  }
0xae: {  	s26 =	simm.s32 $execute0_lowered;
	[smem:$0x3FD2] =	sst s25  }
0xaf: {  	s9 =	sshll.u32 s26, $0x1;
	_ =	strace $0x80000046;
	[dreg:$0x1] =	wrdreg $0xFFFFFFFF  }
0xb0: {  	s28 =	simm.s32 $_size_execute0_lowered;
	s8 =	sadd.s32 s8, s9;
	[dreg:$0x0] =	wrdreg $0x0  }
0xb1: {  	s9 =	sshll.u32 s28, $0x1;
	[dreg:$0x2] =	wrdreg s8  }
0xb2: {  	[dreg:$0x3] =	wrdreg s9  }
0xb3: {  	[dreg:$0x4] =	wrdreg $0xC0  }
0xb4: {  	_ =	task [dreg:s12], $0x5FFFF  }
0xb5: {  	[dreg:$0x1] =	wrdreg $0xFFFFFFFF  }
0xb6: {  	[dreg:$0x0] =	wrdreg $0x60  }
0xb7: {  	[dreg:$0x2] =	wrdreg s2  }
0xb8: {  	[dreg:$0x3] =	wrdreg s4  }
0xb9: {  	[dreg:$0x4] =	wrdreg s5  }
0xba: {  	[dreg:$0x5] =	wrdreg s6  }
0xbb: {  	[dreg:$0x6] =	wrdreg s17  }
0xbc: {  	[dreg:$0x7] =	wrdreg s18  }
0xbd: {  	[dreg:$0x8] =	wrdreg $0x61800  }
0xbe: {  	[dreg:$0x9] =	wrdreg $0x9  }
0xbf: {  	_ =	task.clear_ibuf [dreg:s12], $0xAFFFF;
	_ =	strace $0x90000046  }
0xc0: {  	s29 =	simm.s32 $0x9;
	_ =	strace $0x80000048  }
0xc1: {  	_ =	swait.ge [sflag:s29], $0x1  }
0xc2: {  	[sflag:s29] =	ssyncadd.s32 $0xFFFFFFFF  }
0xc3: {  	_ =	strace $0x90000048  }
0xc4: {  	_ =	sfence  }
0xc5: {  	s30 =	sld [smem:$0x0];
	_ =	sdelay $0x2  }
0xc6: {  	s31 =	sshll.u32 s1, $0xD;
	s1 =	sshrl.u32 s1, $0x2  }
0xc7: {  	s3 =	sand.u32 $0x4000, s31;
	s1 =	sadd.s32 s1, s30  }
0xc8: {  	s0 =	sor.u32 s3, s0;
	s1 =	sshll.u32 s1, $0x11  }
0xc9: {  	s0 =	sor.u32 s1, s0  }
0xca: {  	s0 =	sadd.s32 $0x8F2B, s0  }
0xcb: {  	[sflag:s0] =	ssyncadd.remote.s32 $0x1  }
0xcc: {  	_ =	sfence.sel $0xFFFF  }
0xcd: {  	[dreg:$0x0] =	wrdreg $0xFFFFFFFF;
	(pc) =	sbr.abs _section_cstart, $3  }
0xce: {  	[dreg:$0x1] =	wrdreg $0xFFFFFFFF  }
0xcf: {  	_ =	task.clear_ibuf [dreg:s12], $0x2FFFF;
	_ =	strace $0x9FFFFFFF  }
0xd0: {  	(tm) =	ssettm $0x7FFFFFFF  }
0xd1: {  	_ =	shalt  }
tec
execute0_lowered:
.L_overlay_start_1:
0x0: {  	(tag) =	ssettag $0x1  }
0x1: {  	s0 =	rddreg [dreg:$0x0]  }
0x2: {  	s1 =	rddreg [dreg:$0x1]  }
0x3: {  	s2 =	rddreg [dreg:$0x2]  }
0x4: {  	s3 =	rddreg [dreg:$0x3]  }
0x5: {  	s4 =	rddreg [dreg:$0x4]  }
0x6: {  	s8 =	rddreg [dreg:$0x5]  }
0x7: {  	s5 =	rddreg [dreg:$0x6];
	s6 =	simm.s32 $0x0  }
0x8: {  	s7 =	srdreg.scid;
	s17 =	stileid.u32;
	s28 =	simm.s32 $0x80  }
0x9: {  	s29 =	simm.s32 $0x1;
	s30 =	simm.s32 $0x2180;
	s14 =	smul.u32 $0x50000, s17  }
0xa: {  	s31 =	simm.s32 $0x2100;
	[smem:$0x7FF] =	sst s6;
	s9 =	sand.u32 $0x1, s7  }
0xb: {  	s25 =	smul.u32 $0x2800, s17;
	_ =	strace $0x80000047;
	s7 =	sshrl.u32 s14, $0x2  }
0xc: {  	s10 =	ssub.s32 $0x2, s9;
	s11 =	sshll.u32 s9, $0x4;
	s7 =	sadd.s32 s7, s5  }
0xd: {  	s9 =	smul.u32 $0x28000, s9;
	s12 =	sshrl.u32 s10, $0x1;
	s15 =	sadd.s32 $0x4000, s7  }
0xe: {  	s11 =	sor.u32 s17, s11;
	s16 =	sadd.s32 $0x8000, s7;
	[dreg:$0x8] =	wrdreg s15  }
0xf: {  	s13 =	smul.u32 $0x140, s11;
	s18 =	sadd.s32 $0xC000, s7;
	[dreg:$0x9] =	wrdreg s16  }
0x10: {  	s10 =	ssub.s32 s10, s12;
	s8 =	sadd.s32 s8, s9;
	[dreg:$0xa] =	wrdreg s18  }
0x11: {  	s19 =	sshrl.u32 s13, $0x3;
	s14 =	sadd.s32 $0x40, s13;
	s16 =	smul.u32 $0x1400, s11  }
0x12: {  	s18 =	sadd.s32 $0x80, s13;
	s20 =	sadd.s32 s0, s19;
	s21 =	sshrl.u32 s14, $0x3  }
0x13: {  	s22 =	sshll.u32 s14, $0x4;
	s19 =	sadd.s32 $0xC0, s13;
	s23 =	sshrl.u32 s18, $0x3  }
0x14: {  	s26 =	sshll.u32 s18, $0x4;
	[dreg:$0xb] =	wrdreg s20;
	s12 =	sadd.s32 s0, s21  }
0x15: {  	s20 =	sadd.s32 $0x100, s13;
	s24 =	sshrl.u32 s19, $0x3;
	s13 =	sadd.s32 s0, s23  }
0x16: {  	s16 =	sadd.s32 s4, s16;
	s17 =	sadd.s32 s4, s22;
	s19 =	sshll.u32 s19, $0x4  }
0x17: {  	s18 =	sadd.s32 s4, s26;
	s21 =	sadd.s32 $0x10000, s7;
	s22 =	smul.u32 $0x50, s11  }
0x18: {  	s23 =	smax.u32 s10, $0x1;
	s26 =	simm.s32 $0x40;
	s15 =	sshrl.u32 s20, $0x3  }
0x19: {  	s14 =	sadd.s32 s0, s24;
	s20 =	sshll.u32 s20, $0x4;
	s19 =	sadd.s32 s4, s19  }
0x1a: {  	s24 =	sadd.s32 s25, s8;
	s25 =	simm.s32 $0x2;
	s15 =	sadd.s32 s0, s15  }
0x1b: {  	v0 =	vimm.f32 $0.0e+00;
	s20 =	sadd.s32 s4, s20;
	s0 =	simm.s32 $0x2080;
	s4 =	simm.s32 $0x0  }
.LBB2_1:
0x1c: {  	s8 =	rddreg [dreg:$0xb]  }
0x1d: {  	[tilespmem:s6], [sflag:$0x2] =	stream.linear.gather [hbm4b:s8+s6], $0x40, $0x38;
	[tilespmem:$0x1A180] =	vst v63  }
0x1e: {  	_ =	swait.ge [sflag:s25], $0x40  }
0x1f: {  	[sflag:s25] =	ssyncset.done $0x0  }
0x20: {  	[sflag:s25] =	ssyncadd.s32 $0xFFFFFFC0  }
0x21: {  	[tilespmem:s28], [sflag:$0x1] =	stream.indirect.gather [hbm4b:s1+s26], $0x80, s6, s26, $0xb8;
	[tilespmem:$0x1A180] =	vst v63  }
0x22: {  	_ =	swait.ge [sflag:s29], $0x2000  }
0x23: {  	[sflag:s29] =	ssyncset.done $0x0  }
0x24: {  	[sflag:s29] =	ssyncadd.s32 $0xFFFFE000  }
0x25: {  	[hbm4b:s16+s6] =	stream.linear.scatter [tilespmem:s28], [sflag:$0x2], $0x2000, $0x38;
	[tilespmem:$0x1A180] =	vst v63  }
0x26: {  	_ =	swait.ge [sflag:s25], $0x2000  }
0x27: {  	[sflag:s25] =	ssyncset.done $0x0  }
0x28: {  	[sflag:s25] =	ssyncadd.s32 $0xFFFFE000  }
0x29: {  	[tilespmem:s6], [sflag:$0x2] =	stream.linear.gather [hbm4b:s12+s6], $0x40, $0x38;
	[tilespmem:$0x1A180] =	vst v63  }
0x2a: {  	_ =	swait.ge [sflag:s25], $0x40  }
0x2b: {  	[sflag:s25] =	ssyncset.done $0x0  }
0x2c: {  	[sflag:s25] =	ssyncadd.s32 $0xFFFFFFC0  }
0x2d: {  	[tilespmem:s28], [sflag:$0x1] =	stream.indirect.gather [hbm4b:s1+s26], $0x80, s6, s26, $0xb8;
	[tilespmem:$0x1A180] =	vst v63  }
0x2e: {  	_ =	swait.ge [sflag:s29], $0x2000  }
0x2f: {  	[sflag:s29] =	ssyncset.done $0x0  }
0x30: {  	[sflag:s29] =	ssyncadd.s32 $0xFFFFE000  }
0x31: {  	[hbm4b:s17+s6] =	stream.linear.scatter [tilespmem:s28], [sflag:$0x2], $0x2000, $0x38;
	[tilespmem:$0x1A180] =	vst v63  }
0x32: {  	_ =	swait.ge [sflag:s25], $0x2000  }
0x33: {  	[sflag:s25] =	ssyncset.done $0x0  }
0x34: {  	[sflag:s25] =	ssyncadd.s32 $0xFFFFE000  }
0x35: {  	[tilespmem:s6], [sflag:$0x2] =	stream.linear.gather [hbm4b:s13+s6], $0x40, $0x38;
	[tilespmem:$0x1A180] =	vst v63  }
0x36: {  	_ =	swait.ge [sflag:s25], $0x40  }
0x37: {  	[sflag:s25] =	ssyncset.done $0x0  }
0x38: {  	[sflag:s25] =	ssyncadd.s32 $0xFFFFFFC0  }
0x39: {  	[tilespmem:s28], [sflag:$0x1] =	stream.indirect.gather [hbm4b:s1+s26], $0x80, s6, s26, $0xb8;
	[tilespmem:$0x1A180] =	vst v63  }
0x3a: {  	_ =	swait.ge [sflag:s29], $0x2000  }
0x3b: {  	[sflag:s29] =	ssyncset.done $0x0  }
0x3c: {  	[sflag:s29] =	ssyncadd.s32 $0xFFFFE000  }
0x3d: {  	[hbm4b:s18+s6] =	stream.linear.scatter [tilespmem:s28], [sflag:$0x2], $0x2000, $0x38;
	[tilespmem:$0x1A180] =	vst v63  }
0x3e: {  	_ =	swait.ge [sflag:s25], $0x2000  }
0x3f: {  	[sflag:s25] =	ssyncset.done $0x0  }
0x40: {  	[sflag:s25] =	ssyncadd.s32 $0xFFFFE000  }
0x41: {  	[tilespmem:s6], [sflag:$0x2] =	stream.linear.gather [hbm4b:s14+s6], $0x40, $0x38;
	[tilespmem:$0x1A180] =	vst v63  }
0x42: {  	_ =	swait.ge [sflag:s25], $0x40  }
0x43: {  	[sflag:s25] =	ssyncset.done $0x0  }
0x44: {  	[sflag:s25] =	ssyncadd.s32 $0xFFFFFFC0  }
0x45: {  	[tilespmem:s28], [sflag:$0x1] =	stream.indirect.gather [hbm4b:s1+s26], $0x80, s6, s26, $0xb8;
	[tilespmem:$0x1A180] =	vst v63  }
0x46: {  	_ =	swait.ge [sflag:s29], $0x2000  }
0x47: {  	[sflag:s29] =	ssyncset.done $0x0  }
0x48: {  	[sflag:s29] =	ssyncadd.s32 $0xFFFFE000  }
0x49: {  	[hbm4b:s19+s6] =	stream.linear.scatter [tilespmem:s28], [sflag:$0x2], $0x2000, $0x38;
	[tilespmem:$0x1A180] =	vst v63  }
0x4a: {  	_ =	swait.ge [sflag:s25], $0x2000  }
0x4b: {  	[sflag:s25] =	ssyncset.done $0x0  }
0x4c: {  	[sflag:s25] =	ssyncadd.s32 $0xFFFFE000  }
0x4d: {  	[tilespmem:s6], [sflag:$0x2] =	stream.linear.gather [hbm4b:s15+s6], $0x40, $0x38;
	[tilespmem:$0x1A180] =	vst v63  }
0x4e: {  	_ =	swait.ge [sflag:s25], $0x40  }
0x4f: {  	[sflag:s25] =	ssyncset.done $0x0  }
0x50: {  	[sflag:s25] =	ssyncadd.s32 $0xFFFFFFC0  }
0x51: {  	[tilespmem:s28], [sflag:$0x1] =	stream.indirect.gather [hbm4b:s1+s26], $0x80, s6, s26, $0xb8;
	[tilespmem:$0x1A180] =	vst v63  }
0x52: {  	_ =	swait.ge [sflag:s29], $0x2000  }
0x53: {  	[sflag:s29] =	ssyncset.done $0x0  }
0x54: {  	[sflag:s29] =	ssyncadd.s32 $0xFFFFE000  }
0x55: {  	[hbm4b:s20+s6] =	stream.linear.scatter [tilespmem:s28], [sflag:$0x2], $0x2000, $0x38;
	[tilespmem:$0x1A180] =	vst v63  }
0x56: {  	_ =	swait.ge [sflag:s25], $0x2000  }
0x57: {  	[sflag:s25] =	ssyncset.done $0x0  }
0x58: {  	s9 =	simm.s32 $0x200;
	s8 =	simm.s32 $0x0;
	[sflag:s25] =	ssyncadd.s32 $0xFFFFE000  }
.LBB2_2:
0x59: {  	p0 =	sne.s32 s9, $0xFE00;
	[tilespmem:s8+$0x21F0] =	vst v0  }
0x5a: {  	[tilespmem:s8+$0x2180] =	vst v0  }
0x5b: {  	[tilespmem:s8+$0x2190] =	vst v0  }
.Ltmp0:
0x5c: {  	[tilespmem:s8+$0x21A0] =	vst v0;
	(pc) =	sbr.rel @p0 .LBB2_2-.Ltmp0, $4  }
0x5d: {  	[tilespmem:s8+$0x21B0] =	vst v0  }
0x5e: {  	[tilespmem:s8+$0x21C0] =	vst v0  }
0x5f: {  	[tilespmem:s8+$0x21D0] =	vst v0  }
0x60: {  	[tilespmem:s8+$0x21E0] =	vst v0;
	s8 =	sshra.s32 s9, $0x2;
	s9 =	sadd.s32 $0x200, s9  }
0x61: {  	[tilespmem:s8+$0x21F0] =	vst v0  }
0x62: {  	[tilespmem:s8+$0x2180] =	vst v0  }
0x63: {  	[tilespmem:s8+$0x2190] =	vst v0  }
0x64: {  	[tilespmem:s8+$0x21A0] =	vst v0  }
0x65: {  	[tilespmem:s8+$0x21B0] =	vst v0  }
0x66: {  	[tilespmem:s8+$0x21C0] =	vst v0  }
0x67: {  	[tilespmem:s8+$0x21D0] =	vst v0  }
0x68: {  	[tilespmem:s8+$0x21E0] =	vst v0  }
0x69: {  	[spmem:s7] =	stream.linear.scatter [tilespmem:s30], [sflag:$0x2], $0x4000, $0x38;
	[tilespmem:$0x1A180] =	vst v63  }
0x6a: {  	_ =	swait.ge [sflag:s25], $0x4000  }
0x6b: {  	[sflag:s25] =	ssyncset.done $0x0  }
0x6c: {  	s9 =	rddreg [dreg:$0x8];
	[sflag:s25] =	ssyncadd.s32 $0xFFFFC000  }
0x6d: {  	[spmem:s9] =	stream.linear.scatter [tilespmem:s30], [sflag:$0x2], $0x4000, $0x38;
	[tilespmem:$0x1A180] =	vst v63  }
0x6e: {  	_ =	swait.ge [sflag:s25], $0x4000  }
0x6f: {  	[sflag:s25] =	ssyncset.done $0x0  }
0x70: {  	s10 =	rddreg [dreg:$0x9];
	[sflag:s25] =	ssyncadd.s32 $0xFFFFC000  }
0x71: {  	[spmem:s10] =	stream.linear.scatter [tilespmem:s30], [sflag:$0x2], $0x4000, $0x38;
	[tilespmem:$0x1A180] =	vst v63  }
0x72: {  	_ =	swait.ge [sflag:s25], $0x4000  }
0x73: {  	[sflag:s25] =	ssyncset.done $0x0  }
0x74: {  	s11 =	rddreg [dreg:$0xa];
	[sflag:s25] =	ssyncadd.s32 $0xFFFFC000  }
0x75: {  	[spmem:s11] =	stream.linear.scatter [tilespmem:s30], [sflag:$0x2], $0x4000, $0x38;
	[tilespmem:$0x1A180] =	vst v63  }
0x76: {  	_ =	swait.ge [sflag:s25], $0x4000  }
0x77: {  	[sflag:s25] =	ssyncset.done $0x0  }
0x78: {  	[sflag:s25] =	ssyncadd.s32 $0xFFFFC000  }
0x79: {  	[spmem:s21] =	stream.linear.scatter [tilespmem:s30], [sflag:$0x2], $0x4000, $0x38;
	[tilespmem:$0x1A180] =	vst v63  }
0x7a: {  	_ =	swait.ge [sflag:s25], $0x4000  }
0x7b: {  	[sflag:s25] =	ssyncset.done $0x0  }
0x7c: {  	[sflag:s25] =	ssyncadd.s32 $0xFFFFC000  }
0x7d: {  	s8 =	simm.s32 $0x0;
	s9 =	simm.s32 $0x0;
	[bflag:$0x0] =	sbarrier.arrive $0xFFFF  }
.LBB2_4:
0x7e: {  	s10 =	sadd.s32 s22, s9  }
0x7f: {  	s10 =	sshll.u32 s10, $0x4  }
0x80: {  	s11 =	sadd.s32 s3, s10  }
0x81: {  	[tilespmem:s31], [sflag:$0x2] =	stream.linear.gather [hbm4b:s11+s8], $0x80, $0x38;
	[tilespmem:$0x1A180] =	vst v63  }
0x82: {  	_ =	swait.ge [sflag:s25], $0x80  }
0x83: {  	[sflag:s25] =	ssyncset.done $0x0  }
0x84: {  	v1 =	vmov s8;
	s10 =	sadd.s32 s2, s10;
	[sflag:s25] =	ssyncadd.s32 $0xFFFFFF80  }
0x85: {  	[tilespmem:s0], [sflag:$0x2] =	stream.linear.gather [hbm4b:s10+s8], $0x80, $0x38;
	[tilespmem:$0x1A180] =	vst v63  }
0x86: {  	_ =	swait.ge [sflag:s25], $0x80  }
0x87: {  	[sflag:s25] =	ssyncset.done $0x0  }
0x88: {  	[sflag:s25] =	ssyncadd.s32 $0xFFFFFF80  }
0x89: {  	s11 =	simm.s32 $0x1;
	v1 =	vld.idx.msk [tilespmem:v1+s31+$0x0], $0xffff  }
0x8a: {  	v2 =	vmov s11;
	_ =	sdelay $0x2  }
0x8b: {  	s10 =	simm.s32 $0x2180  }
0x8c: {  	[tilespmem:s10+$0x0] =	vst v1  }
0x8d: {  	s11 =	simm.s32 $0x2;
	v1 =	vld.idx.msk [tilespmem:v2+s31+$0x0], $0xffff  }
0x8e: {  	v2 =	vmov s11;
	s11 =	simm.s32 $0x3  }
.LBB2_5:
0x8f: {  	p0 =	sne.s32 s11, $0x7F;
	_ =	sdelay $0x1  }
.Ltmp1:
0x90: {  	s10 =	sadd.s32 $0x80, s10;
	(pc) =	sbr.rel @p0 .LBB2_5-.Ltmp1, $3  }
0x91: {  	[tilespmem:s10+$0x0] =	vst v1  }
0x92: {  	v1 =	vld.idx.msk [tilespmem:v2+s31+$0x0], $0xffff;
	_ =	sdelay $0x1  }
0x93: {  	v2 =	vmov s11;
	s11 =	sadd.s32 $0x1, s11  }
0x94: {  	_ =	sdelay $0x1  }
0x95: {  	s10 =	sadd.s32 $0x80, s10  }
0x96: {  	[tilespmem:s10+$0x0] =	vst v1  }
0x97: {  	v1 =	vld.idx.msk [tilespmem:v2+s31+$0x0], $0xffff;
	_ =	sdelay $0x2  }
0x98: {  	s9 =	sadd.s32 $0x1, s9  }
0x99: {  	p0 =	sne.s32 s9, $0x50;
	s10 =	sadd.s32 $0x80, s10  }
.Ltmp2:
0x9a: {  	[tilespmem:s10+$0x0] =	vst v1;
	(pc) =	sbr.rel @p0 .LBB2_4-.Ltmp2, $4  }
0x9b: {  	[spmem:s5] =	stream.indirect.scatter.add.f32 [tilespmem:s30], [sflag:$0x2], $0x80, s0, s28, $0xb8;
	[tilespmem:$0x1A180] =	vst v63  }
0x9c: {  	_ =	swait.ge [sflag:s25], $0x4000  }
0x9d: {  	[sflag:s25] =	ssyncset.done $0x0  }
0x9e: {  	[sflag:s25] =	ssyncadd.s32 $0xFFFFC000  }
0x9f: {  	s8 =	stileid.u32;
	s4 =	sadd.s32 $0x1, s4  }
0xa0: {  	[bflag:$0x0] =	sbarrier.arrive $0xFFFF;
	s8 =	sshll.u32 s8, $0x6;
	p0 =	sne.s32 s4, s23  }
.Ltmp3:
0xa1: {  	s9 =	sshrl.u32 s7, $0x3;
	s8 =	sor.u32 $0x1C02, s8;
	(pc) =	sbr.rel @p0 .LBB2_1-.Ltmp3, $4  }
0xa2: {  	[hbm:s24], [sflag:s8] =	dma.local [spmem:s9], $0x2800  }
0xa3: {  	_ =	swait.ge [sflag:s25], $0x2800  }
0xa4: {  	[sflag:s25] =	ssyncset.done $0x0  }
0xa5: {  	[sflag:s25] =	ssyncadd.s32 $0xFFFFD800  }
0xa6: {  	_ =	sfence.sel $0x180000  }
0xa7: {  	[bflag:$0x0] =	sbarrier.arrive $0xFFFF  }
0xa8: {  	_ =	strace $0x90000047  }
0xa9: {  	s0 =	stileid.u32;
	[bflag:$0x2] =	sbarrier.arrive $0xFFFF  }
0xaa: {  	p0 =	sne.s32 s0, $0x0;
	s0 =	rddreg [dreg:$0x7]  }
0xab: {  	s0 =	sadd.s32 @!p0 $0x100000, s0  }
0xac: {  	[sflag:s0] =	ssyncadd.tile.s32 @!p0 $0x1;
	_ =	shalt  }
.Lfunc_end2:
_tile_overlayer_lowered:
.L_overlay_start_2:
0xad: {  	(tag) =	ssettag $0x2  }
0xae: {  	s0 =	rddreg [dreg:$0x0];
	s2 =	stileid.u32  }
0xaf: {  	s1 =	rddreg [dreg:$0x1];
	p0 =	sne.s32 s2, $0x0  }
0xb0: {  	s3 =	rddreg [dreg:$0x2];
	[bflag:$0x3] =	sbarrier.arrive $0xFFFF;
	s2 =	simm.s32 @!p0 $0x1C02  }
0xb1: {  	[timem:s3], [sflag:s2] =	dma.local @!p0 [hbm:s0], s1  }
0xb2: {  	s0 =	simm.s32 @!p0 $0x2  }
0xb3: {  	_ =	swait.ge @!p0 [sflag:s0], s1  }
0xb4: {  	s1 =	ssub.s32 @!p0 $0x0, s1;
	[sflag:s0] =	ssyncset.done @!p0 $0x0  }
0xb5: {  	[sflag:s0] =	ssyncadd.s32 @!p0 s1  }
0xb6: {  	[bflag:$0x3] =	sbarrier.arrive $0xFFFF  }
0xb7: {  	_ =	shalt  }

</sc_bundles>
